<compile_context>
chip_gen: v7x
topology: tpu7x:2x2x1
jax: 0.10.2.dev20260603
libtpu: 0.0.44.dev20260713+nightly
codegen_flags: <defaults>
</compile_context>

<pallas_src>
import functools

import jax
import jax.numpy as jnp
from jax import lax
from jax.experimental import pallas as pl
from jax.experimental.pallas import tpu as pltpu
from jax.experimental.pallas import tpu_sc as plsc

_LANES = 16
_NUM_TILES = 32
_NUM_CORES = 2


def _build(total, chunk):
    per_tile = total // _NUM_TILES
    n_chunks = per_tile // chunk
    assert per_tile % chunk == 0 and chunk % _LANES == 0

    mesh = plsc.VectorSubcoreMesh(core_axis_name="c", subcore_axis_name="s")

    @functools.partial(
        pl.kernel,
        mesh=mesh,
        out_type=jax.ShapeDtypeStruct((total,), jnp.float32),
        scratch_types=[
            pltpu.VMEM((_LANES,), jnp.float32),
            pltpu.VMEM((chunk,), jnp.int32),
            pltpu.VMEM((chunk,), jnp.float32),
        ],
    )
    def gather_kernel(idx_hbm, table_hbm, out_hbm, table_v, idx_v, out_v):
        wid = lax.axis_index("s") * _NUM_CORES + lax.axis_index("c")
        base = wid * per_tile
        pltpu.sync_copy(table_hbm, table_v)
        table = table_v[...]

        def chunk_body(ci, _):
            off = pl.multiple_of(base + ci * chunk, 8)
            pltpu.sync_copy(idx_hbm.at[pl.ds(off, chunk)], idx_v)

            def vec_body(i, _):
                idx = idx_v[pl.ds(i * _LANES, _LANES)]
                out_v[pl.ds(i * _LANES, _LANES)] = lax.gather(
                    table,
                    idx[:, None],
                    lax.GatherDimensionNumbers(
                        offset_dims=(),
                        collapsed_slice_dims=(0,),
                        start_index_map=(0,),
                    ),
                    (1,),
                    mode=lax.GatherScatterMode.PROMISE_IN_BOUNDS,
                )
                return 0

            lax.fori_loop(0, chunk // _LANES, vec_body, 0)
            pltpu.sync_copy(out_v, out_hbm.at[pl.ds(off, chunk)])
            return 0

        lax.fori_loop(0, n_chunks, chunk_body, 0)

    return gather_kernel


_TOTAL = 16384 * 200
_GATHER = _build(_TOTAL, chunk=25600)


def kernel(input, val_table):
    flat = input.reshape(-1)
    out = _GATHER(flat, val_table)
    return out.reshape(input.shape)

# --- scband reference (transcript-rebuilt; emitter-appended) ---
"""Pipeline reference for scband-group-8091718385766 (READ-ONLY COPY).

The authoritative reference and input builder live on the scoring server;
editing this copy changes nothing except your own understanding.
"""

import jax, jax.numpy as jnp
import numpy as np

ORDER = 16
BATCH = 16384
HIST = 200


def setup_inputs(seed: int = 0) -> dict:
    key = jax.random.key(seed)
    k1, k2 = jax.random.split(key)
    inp = jax.random.randint(k1, (BATCH, HIST), 0, ORDER, dtype=jnp.int32)
    val_table = jax.random.normal(k2, (ORDER,), dtype=jnp.float32)
    return {"input": inp, "val_table": val_table}


def reference(input, val_table):
    # Group.forward: val_table[input]  (embedding-style gather from group
    # function value table, one value per group element index)
    assert val_table.shape[0] == ORDER
    return jnp.take(val_table, input, axis=0)

if __name__ == "__main__":
    import jax
    _d = setup_inputs()
    print(jax.jit(kernel)(*tuple(_d.values())))

</pallas_src>

<mosaic_0001>
#map = affine_map<(d0, d1) -> (0)>
module attributes {stable_mosaic.version = 14 : i64} {
  func.func @gather_kernel(%arg0: i32, %arg1: i32, %arg2: memref<3276800xi32, #tpu.memory_space<hbm>>, %arg3: memref<16xf32, #tpu.memory_space<hbm>>, %arg4: memref<3276800xf32, #tpu.memory_space<hbm>>, %arg5: memref<16xf32, #tpu.memory_space<vmem>>, %arg6: memref<25600xi32, #tpu.memory_space<vmem>>, %arg7: memref<25600xf32, #tpu.memory_space<vmem>>) attributes {dimension_semantics = [#tpu.dimension_semantics<core_parallel>, #tpu.dimension_semantics<subcore_parallel>], iteration_bounds = array<i64: 2, 16>, scalar_prefetch = 0 : i64, scratch_operands = 3 : i64, tpu.core_type = #tpu.core_type<sc_vector_subcore>, window_params = [{transform_indices = #map}, {transform_indices = #map}, {transform_indices = #map}]} {
    %mul3A = arith.constant 2 : i32
    %mul3A_0 = arith.muli %arg1, %mul3A : i32
    %add3A = arith.addi %mul3A_0, %arg0 : i32
    %mul3A_1 = arith.constant 102400 : i32
    %mul3A_2 = arith.muli %add3A, %mul3A_1 : i32
    "tpu.region"() ({
      %run_scoped3A = tpu.sem_alloc : memref<!tpu.dma_semaphore, #tpu.memory_space<semaphore_mem>>
      tpu.enqueue_dma source(%arg3 : memref<16xf32, #tpu.memory_space<hbm>>) target(%arg5 : memref<16xf32, #tpu.memory_space<vmem>>) target_semaphore(%run_scoped3A : memref<!tpu.dma_semaphore, #tpu.memory_space<semaphore_mem>>)
      tpu.wait_dma2 semaphore(%run_scoped3A : memref<!tpu.dma_semaphore, #tpu.memory_space<semaphore_mem>>) src(%arg3 : memref<16xf32, #tpu.memory_space<hbm>>) dst(%arg5 : memref<16xf32, #tpu.memory_space<vmem>>)
      tpu.yield
    }) : () -> ()
    %get3A = arith.constant 0 : index
    %get3A_3 = tpu.vector_load %arg5[%get3A] {strides = array<i32>} : memref<16xf32, #tpu.memory_space<vmem>>, vector<16xf32>,
    %get3A_4 = vector.shape_cast %get3A_3 : vector<16xf32> to vector<16xf32>
    %scan3A = arith.constant 0 : i32
    %scan3A_5 = arith.constant 0 : i32
    %scan3A_6 = arith.constant 4 : i32
    %scan3A_7 = arith.addi %scan3A_5, %scan3A_6 : i32
    %scan3A_8 = arith.constant 1 : i32
    %scan3A_9 = scf.for %scan3A_11 = %scan3A_5 to %scan3A_7 step %scan3A_8 iter_args(%scan3A_12 = %scan3A) -> (i32)  : i32 {
      %mul3A_13 = arith.constant 25600 : i32
      %mul3A_14 = arith.muli %scan3A_11, %mul3A_13 : i32
      %add3A_15 = arith.addi %mul3A_2, %mul3A_14 : i32
      %multiple_of3A = tpu.assume_multiple %add3A_15, 8 : i32
      "tpu.region"() ({
        %run_scoped3A = tpu.sem_alloc : memref<!tpu.dma_semaphore, #tpu.memory_space<semaphore_mem>>
        %dma_start3A = tpu.memref_slice %arg2[%multiple_of3A] : memref<3276800xi32, #tpu.memory_space<hbm>> -> memref<25600xi32, #tpu.memory_space<hbm>>
        %dma_start3A_24 = tpu.memref_slice %arg2[%multiple_of3A] : memref<3276800xi32, #tpu.memory_space<hbm>> -> memref<25600xi32, #tpu.memory_space<hbm>>
        tpu.enqueue_dma source(%dma_start3A_24 : memref<25600xi32, #tpu.memory_space<hbm>>) target(%arg6 : memref<25600xi32, #tpu.memory_space<vmem>>) target_semaphore(%run_scoped3A : memref<!tpu.dma_semaphore, #tpu.memory_space<semaphore_mem>>)
        %dma_wait3A = tpu.memref_slice %arg2[%multiple_of3A] : memref<3276800xi32, #tpu.memory_space<hbm>> -> memref<25600xi32, #tpu.memory_space<hbm>>
        %dma_wait3A_25 = tpu.memref_slice %arg2[%multiple_of3A] : memref<3276800xi32, #tpu.memory_space<hbm>> -> memref<25600xi32, #tpu.memory_space<hbm>>
        tpu.wait_dma2 semaphore(%run_scoped3A : memref<!tpu.dma_semaphore, #tpu.memory_space<semaphore_mem>>) src(%dma_wait3A_25 : memref<25600xi32, #tpu.memory_space<hbm>>) dst(%arg6 : memref<25600xi32, #tpu.memory_space<vmem>>)
        tpu.yield
      }) : () -> ()
      %scan3A_16 = arith.constant 0 : i32
      %scan3A_17 = arith.constant 0 : i32
      %scan3A_18 = arith.constant 1600 : i32
      %scan3A_19 = arith.addi %scan3A_17, %scan3A_18 : i32
      %scan3A_20 = arith.constant 1 : i32
      %scan3A_21 = scf.for %scan3A_24 = %scan3A_17 to %scan3A_19 step %scan3A_20 iter_args(%scan3A_25 = %scan3A_16) -> (i32)  : i32 {
        %mul3A_26 = arith.constant 16 : i32
        %mul3A_27 = arith.muli %scan3A_24, %mul3A_26 : i32
        %get3A_28 = arith.index_cast %mul3A_27 : i32 to index
        %get3A_29 = tpu.vector_load %arg6[%get3A_28] {strides = array<i32>} : memref<25600xi32, #tpu.memory_space<vmem>>, vector<16xi32>,
        %get3A_30 = vector.shape_cast %get3A_29 : vector<16xi32> to vector<16xi32>
        %broadcast_in_dim3A = vector.shape_cast %get3A_30 : vector<16xi32> to vector<16x1xi32>
        %gather3A = vector.shape_cast %broadcast_in_dim3A : vector<16x1xi32> to vector<16xi32>
        %gather3A_31 = tpu.dynamic_gather %get3A_4[%gather3A] in [0] : vector<16xf32>, vector<16xi32> -> vector<16xf32>
        %mul3A_32 = arith.constant 16 : i32
        %mul3A_33 = arith.muli %scan3A_24, %mul3A_32 : i32
        %swap3A = arith.index_cast %mul3A_33 : i32 to index
        %swap3A_34 = tpu.vector_load %arg7[%swap3A] {strides = array<i32>} : memref<25600xf32, #tpu.memory_space<vmem>>, vector<16xf32>,
        %swap3A_35 = vector.shape_cast %swap3A_34 : vector<16xf32> to vector<16xf32>
        %swap3A_36 = vector.shape_cast %gather3A_31 : vector<16xf32> to vector<16xf32>
        tpu.vector_store %arg7[%swap3A], %swap3A_36 {strides = array<i32>} : memref<25600xf32, #tpu.memory_space<vmem>>, vector<16xf32>,
        %scan3A_37 = arith.constant 0 : i32
        scf.yield %scan3A_37 : i32
      }
      %scan3A_22 = arith.constant 1600 : i32
      "tpu.region"() ({
        %run_scoped3A = tpu.sem_alloc : memref<!tpu.dma_semaphore, #tpu.memory_space<semaphore_mem>>
        %dma_start3A = tpu.memref_slice %arg4[%multiple_of3A] : memref<3276800xf32, #tpu.memory_space<hbm>> -> memref<25600xf32, #tpu.memory_space<hbm>>
        %dma_start3A_24 = tpu.memref_slice %arg4[%multiple_of3A] : memref<3276800xf32, #tpu.memory_space<hbm>> -> memref<25600xf32, #tpu.memory_space<hbm>>
        tpu.enqueue_dma source(%arg7 : memref<25600xf32, #tpu.memory_space<vmem>>) target(%dma_start3A_24 : memref<25600xf32, #tpu.memory_space<hbm>>) target_semaphore(%run_scoped3A : memref<!tpu.dma_semaphore, #tpu.memory_space<semaphore_mem>>)
        %dma_wait3A = tpu.memref_slice %arg4[%multiple_of3A] : memref<3276800xf32, #tpu.memory_space<hbm>> -> memref<25600xf32, #tpu.memory_space<hbm>>
        %dma_wait3A_25 = tpu.memref_slice %arg4[%multiple_of3A] : memref<3276800xf32, #tpu.memory_space<hbm>> -> memref<25600xf32, #tpu.memory_space<hbm>>
        tpu.wait_dma2 semaphore(%run_scoped3A : memref<!tpu.dma_semaphore, #tpu.memory_space<semaphore_mem>>) src(%arg7 : memref<25600xf32, #tpu.memory_space<vmem>>) dst(%dma_wait3A_25 : memref<25600xf32, #tpu.memory_space<hbm>>)
        tpu.yield
      }) : () -> ()
      %scan3A_23 = arith.constant 0 : i32
      scf.yield %scan3A_23 : i32
    }
    %scan3A_10 = arith.constant 4 : i32
    return
  }
}

</mosaic_0001>

<sc_bundles>
// kernel: kernel.3.cloned.1.call-start
scs
__scs_entry_jumppad:
0x0: {  	(pc) =	sbr.rel $0x88, $3  }
0x1: {  	(tag) =	ssettag $0x0;
	lr =	simm.s32 $0x1  }
0x2: {  	[smem:$0x3F9F] =	sst lr;
	_ =	strace $0xD0000000  }
0x3: {  	_ = 	snop  }
0x4: {  	_ = 	snop  }
0x5: {  	_ = 	snop  }
0x6: {  	_ = 	snop  }
0x7: {  	_ = 	snop  }
__scs_overlays_trampoline_lowered:
0x8: {  	[smem:$0x3FAE] =	sst s0  }
0x9: {  	[smem:$0x3FAF] =	sst s1  }
0xa: {  	[smem:$0x3FB0] =	sst s2  }
0xb: {  	[smem:$0x3FB1] =	sst s3  }
0xc: {  	[smem:$0x3FB2] =	sst s4  }
0xd: {  	[smem:$0x3FB3] =	sst s5  }
0xe: {  	[smem:$0x3FB4] =	sst s6  }
0xf: {  	[smem:$0x3FB5] =	sst s7  }
0x10: {  	[smem:$0x3FB6] =	sst s8  }
0x11: {  	[smem:$0x3FB7] =	sst s9;
	s0 =	simm.s32 @!p0 $0x0  }
0x12: {  	s1 =	sld [smem:$0x3F9D];
	s0 =	simm.s32 @p0 $0x1  }
0x13: {  	[smem:$0x3FB8] =	sst s0;
	s0 =	simm.s32 @!p1 $0x0  }
0x14: {  	s2 =	sld [smem:$0x3F9C];
	s0 =	simm.s32 @p1 $0x1  }
0x15: {  	[smem:$0x3FB9] =	sst s0;
	s0 =	simm.s32 @!p2 $0x0  }
0x16: {  	s3 =	sld [smem:$0x3FDB];
	s0 =	simm.s32 @p2 $0x1  }
0x17: {  	s4 =	simm.s32 $0x1BF5;
	[smem:$0x3FBB] =	sst s0  }
0x18: {  	s0 =	sld [smem:$0x3F9E];
	_ =	swait.ge [sflag:s4], $0x0  }
0x19: {  	s7 =	sld [smem:$0x3F9F]  }
0x1a: {  	s8 =	sadd.s32 $0xFFFFE003, lr  }
0x1b: {  	s9 =	sadd.s32 $0xFFFFFEF7, lr;
	s5 =	simm.s32 $0xFFFFFFFF;
	p2 =	slt.u32 s8, $0xFFFFF086  }
0x1c: {  	p1 =	slt.u32 s9, $0xF7A;
	s5 =	simm.s32 @!p2 $0x0  }
0x1d: {  	s5 =	simm.s32 @p1 $0x1;
	p0 =	seq.s32 s7, s2  }
0x1e: {  	s7 =	smul.u32 @!p0 $0xF7A, s2;
	p2 =	seq.s32 @!p0 s5, $0x0  }
0x1f: {  	s9 =	smul.u32 $0xF7A, s1;
	s8 =	simm.s32 @!p0 $0x1BF5;
	p2 =	por !p2, p0  }
0x20: {  	[sflag:s8] =	ssyncset.s32 @!p0 $0xFFFFF086;
	s6 =	sadd.s32 @!p0 s3, s7;
	s7 =	simm.s32 @!p0 $0x108  }
0x21: {  	s3 =	sadd.s32 s3, s9;
	s6 =	sadd.s32 @!p0 $0x88, s6;
	s7 =	simm.s32 @p2 $0x1082  }
0x22: {  	[simem:s7], [sflag:s8] =	dma.local @!p0 [hbm:s6], $0xF7A  }
0x23: {  	s9 =	sor.u32 $0xD0000000, s2;
	s6 =	simm.s32 $0x108;
	_ =	swait.ge @!p0 [sflag:s8], $0x0  }
0x24: {  	s3 =	sadd.s32 $0x88, s3;
	s6 =	simm.s32 @!p1 $0x1082;
	[sflag:s4] =	ssyncset.s32 $0xFFFFF086  }
0x25: {  	[simem:s6], [sflag:s4] =	dma.local [hbm:s3], $0xF7A  }
0x26: {  	[smem:$0x3F9F] =	sst s1;
	(tag) =	ssettag s2;
	_ =	strace s9  }
0x27: {  	s1 =	sld [smem:$0x3FAF]  }
0x28: {  	s2 =	sld [smem:$0x3FB0]  }
0x29: {  	s4 =	sld [smem:$0x3FB2]  }
0x2a: {  	p0 =	seq.s32 s5, $0x0;
	s5 =	sld [smem:$0x3FB3]  }
0x2b: {  	s6 =	sld [smem:$0x3FB4]  }
0x2c: {  	s7 =	sld [smem:$0x3FB5]  }
0x2d: {  	s3 =	simm.s32 $0x108;
	s8 =	sld [smem:$0x3FB6]  }
0x2e: {  	s3 =	simm.s32 @!p0 $0x1082;
	s9 =	sld [smem:$0x3FB7]  }
0x2f: {  	lr =	sadd.s32 s0, s3;
	s0 =	sld [smem:$0x3FAE]  }
0x30: {  	s3 =	sld [smem:$0x3FB1]  }
0x31: {  	[smem:$0x3FBA] =	sst s10  }
0x32: {  	s10 =	sld [smem:$0x3FB8];
	_ =	sdelay $0x3  }
0x33: {  	p0 =	seq.s32 s10, $0x1;
	s10 =	sld [smem:$0x3FBA];
	_ =	sdelay $0x3  }
0x34: {  	[smem:$0x3FBA] =	sst s10  }
0x35: {  	s10 =	sld [smem:$0x3FB9];
	_ =	sdelay $0x3  }
0x36: {  	p1 =	seq.s32 s10, $0x1;
	s10 =	sld [smem:$0x3FBA];
	_ =	sdelay $0x3  }
0x37: {  	[smem:$0x3FBA] =	sst s10  }
0x38: {  	s10 =	sld [smem:$0x3FBB]  }
0x39: {  	_ = 	snop;
	(pc) =	sbr.ind lr, $3  }
0x3a: {  	_ = 	snop  }
0x3b: {  	_ = 	snop  }
0x3c: {  	p2 =	seq.s32 s10, $0x1;
	s10 =	sld [smem:$0x3FBA]  }
0x3d: {  	_ =	shalt  }
0x3e: {  	_ =	shalt  }
0x3f: {  	_ =	shalt  }
0x40: {  	_ =	shalt  }
0x41: {  	_ =	shalt  }
0x42: {  	_ =	shalt  }
0x43: {  	_ =	shalt  }
0x44: {  	_ =	shalt  }
0x45: {  	_ =	shalt  }
0x46: {  	_ =	shalt  }
0x47: {  	_ =	shalt  }
0x48: {  	_ =	shalt  }
0x49: {  	_ =	shalt  }
0x4a: {  	_ =	shalt  }
0x4b: {  	_ =	shalt  }
0x4c: {  	_ =	shalt  }
0x4d: {  	_ =	shalt  }
0x4e: {  	_ =	shalt  }
0x4f: {  	_ =	shalt  }
0x50: {  	_ =	shalt  }
0x51: {  	_ =	shalt  }
0x52: {  	_ =	shalt  }
0x53: {  	_ =	shalt  }
0x54: {  	_ =	shalt  }
0x55: {  	_ =	shalt  }
0x56: {  	_ =	shalt  }
0x57: {  	_ =	shalt  }
0x58: {  	_ =	shalt  }
0x59: {  	_ =	shalt  }
0x5a: {  	_ =	shalt  }
0x5b: {  	_ =	shalt  }
0x5c: {  	_ =	shalt  }
0x5d: {  	_ =	shalt  }
0x5e: {  	_ =	shalt  }
0x5f: {  	_ =	shalt  }
0x60: {  	_ =	shalt  }
0x61: {  	_ =	shalt  }
0x62: {  	_ =	shalt  }
0x63: {  	_ =	shalt  }
0x64: {  	_ =	shalt  }
0x65: {  	_ =	shalt  }
0x66: {  	_ =	shalt  }
0x67: {  	_ =	shalt  }
0x68: {  	_ =	shalt  }
0x69: {  	_ =	shalt  }
0x6a: {  	_ =	shalt  }
0x6b: {  	_ =	shalt  }
0x6c: {  	_ =	shalt  }
0x6d: {  	_ =	shalt  }
0x6e: {  	_ =	shalt  }
0x6f: {  	_ =	shalt  }
0x70: {  	_ =	shalt  }
0x71: {  	_ =	shalt  }
0x72: {  	_ =	shalt  }
0x73: {  	_ =	shalt  }
0x74: {  	_ =	shalt  }
0x75: {  	_ =	shalt  }
0x76: {  	_ =	shalt  }
0x77: {  	_ =	shalt  }
0x78: {  	_ =	shalt  }
0x79: {  	_ =	shalt  }
0x7a: {  	_ =	shalt  }
0x7b: {  	_ =	shalt  }
0x7c: {  	_ =	shalt  }
0x7d: {  	_ =	shalt  }
0x7e: {  	_ =	shalt  }
0x7f: {  	_ =	shalt  }
0x80: {  	_ =	shalt  }
0x81: {  	_ =	shalt  }
0x82: {  	_ =	shalt  }
0x83: {  	_ =	shalt  }
0x84: {  	_ =	shalt  }
0x85: {  	_ =	shalt  }
0x86: {  	_ =	shalt  }
0x87: {  	_ =	shalt  }
.Lfunc_end0:
.L_simem_size_0:
called_computation_lowered:
.L_overlay_start_0:
0x88: {  	s2 =	sld [smem:$0x3FD9]  }
0x89: {  	s3 =	sld [smem:$0x3FFE];
	_ =	sdelay $0x1  }
0x8a: {  	s1 =	srdreg.scid  }
0x8b: {  	s0 =	sand.u32 $0x1, s1  }
0x8c: {  	s17 =	sshll.u32 s0, $0xA;
	s2 =	sadd.s32 s3, s2  }
0x8d: {  	s2 =	sadd.s32 s2, s17  }
0x8e: {  	[smem:$0x3FC6] =	sst s2  }
0x8f: {  	_ = 	snop  }
0x90: {  	s2 =	sld [smem:$0x3FC8]  }
0x91: {  	s18 =	sld [smem:$0x3FD0];
	(tm) =	ssettm $0x1  }
0x92: {  	s4 =	sld [smem:$0x3FFB];
	_ =	sdelay $0x3  }
0x93: {  	_ =	strace s4  }
0x94: {  	s4 =	sld [smem:$0x3FFC];
	_ =	sdelay $0x3  }
0x95: {  	_ =	strace s4  }
0x96: {  	s4 =	sld [smem:$0x3FFD];
	_ =	sdelay $0x3  }
0x97: {  	_ =	strace s4  }
0x98: {  	_ =	strace $0x8FFFFFFF  }
0x99: {  	s19 =	sld [smem:$0x3FDB];
	_ =	sdelay $0x1  }
0x9a: {  	s5 =	simm.s32 $_scs_section_size  }
0x9b: {  	s6 =	simm.s32 $_size__tile_overlayer_lowered;
	s7 =	simm.s32 $_tile_overlayer_lowered  }
0x9c: {  	s22 =	simm.s32 $0x1BFF;
	s21 =	sshll.u32 s7, $0x1;
	s4 =	sadd.s32 s5, s19  }
0x9d: {  	s8 =	simm.s32 $0x0;
	s20 =	sshll.u32 s6, $0x1;
	s6 =	sadd.s32 s21, s4  }
0x9e: {  	[timem:s8], [sflag:s22] =	dma.local [hbm:s6], s20  }
0x9f: {  	_ =	swait.ge [sflag:s22], s20  }
0xa0: {  	s5 =	ssub.s32 $0x0, s20;
	[sflag:s22] =	ssyncset.done $0x0  }
0xa1: {  	[sflag:s22] =	ssyncadd.s32 s5;
	_ =	sdelay $0x1  }
0xa2: {  	s23 =	simm.s32 $0x1B8B  }
0xa3: {  	_ =	swait.ge [sflag:s23], $0x1  }
0xa4: {  	[sflag:s23] =	ssyncset.done $0x0  }
0xa5: {  	s25 =	simm.s32 $0x1B8E;
	s24 =	sld [smem:$0x3FFE];
	[sflag:s23] =	ssyncadd.s32 $0xFFFFFFFF  }
0xa6: {  	s26 =	simm.s32 $execute0_lowered;
	[smem:$0x3FD2] =	sst s25  }
0xa7: {  	s6 =	sshll.u32 s26, $0x1;
	_ =	strace $0x80000046;
	[dreg:$0x1] =	wrdreg $0xFFFFFFFF  }
0xa8: {  	s28 =	simm.s32 $_size_execute0_lowered;
	s4 =	sadd.s32 s4, s6;
	[dreg:$0x0] =	wrdreg $0x0  }
0xa9: {  	s6 =	sshll.u32 s28, $0x1;
	[dreg:$0x2] =	wrdreg s4  }
0xaa: {  	[dreg:$0x3] =	wrdreg s6  }
0xab: {  	[dreg:$0x4] =	wrdreg $0xC0  }
0xac: {  	_ =	task [dreg:s8], $0x5FFFF  }
0xad: {  	[dreg:$0x1] =	wrdreg $0xFFFFFFFF  }
0xae: {  	[dreg:$0x0] =	wrdreg $0x60  }
0xaf: {  	[dreg:$0x2] =	wrdreg s18  }
0xb0: {  	[dreg:$0x3] =	wrdreg s2  }
0xb1: {  	[dreg:$0x4] =	wrdreg s24  }
0xb2: {  	[dreg:$0x5] =	wrdreg $0x9  }
0xb3: {  	_ =	task.clear_ibuf [dreg:s8], $0x6FFFF;
	_ =	strace $0x90000046  }
0xb4: {  	s29 =	simm.s32 $0x9;
	_ =	strace $0x80000048  }
0xb5: {  	_ =	swait.ge [sflag:s29], $0x1  }
0xb6: {  	[sflag:s29] =	ssyncadd.s32 $0xFFFFFFFF  }
0xb7: {  	_ =	strace $0x90000048  }
0xb8: {  	_ =	sfence  }
0xb9: {  	s30 =	sld [smem:$0x0];
	_ =	sdelay $0x2  }
0xba: {  	s31 =	sshll.u32 s1, $0xD;
	s1 =	sshrl.u32 s1, $0x2  }
0xbb: {  	s3 =	sand.u32 $0x4000, s31;
	s1 =	sadd.s32 s1, s30  }
0xbc: {  	s0 =	sor.u32 s3, s0;
	s1 =	sshll.u32 s1, $0x11  }
0xbd: {  	s0 =	sor.u32 s1, s0  }
0xbe: {  	s0 =	sadd.s32 $0x8F2B, s0  }
0xbf: {  	[sflag:s0] =	ssyncadd.remote.s32 $0x1  }
0xc0: {  	_ =	sfence.sel $0xFFFF  }
0xc1: {  	[dreg:$0x0] =	wrdreg $0xFFFFFFFF;
	(pc) =	sbr.abs _section_cstart, $3  }
0xc2: {  	[dreg:$0x1] =	wrdreg $0xFFFFFFFF  }
0xc3: {  	_ =	task.clear_ibuf [dreg:s8], $0x2FFFF;
	_ =	strace $0x9FFFFFFF  }
0xc4: {  	(tm) =	ssettm $0x7FFFFFFF  }
0xc5: {  	_ =	shalt  }
tec
execute0_lowered:
.L_overlay_start_1:
0x0: {  	(tag) =	ssettag $0x1  }
0x1: {  	s12 =	rddreg [dreg:$0x0];
	s1 =	srdreg.scid  }
0x2: {  	s0 =	stileid.u32;
	s2 =	rddreg [dreg:$0x1]  }
0x3: {  	s5 =	rddreg [dreg:$0x2];
	s4 =	sand.u32 $0x1, s1;
	s30 =	sshll.u32 s0, $0x1  }
0x4: {  	s3 =	simm.s32 $0x0;
	s15 =	simm.s32 $0x6480;
	s6 =	sor.u32 s4, s30  }
0x5: {  	s1 =	rddreg [dreg:$0x3];
	s4 =	ssub.s32 $0x2, s4;
	s6 =	smul.u32 $0x19000, s6  }
0x6: {  	s16 =	simm.s32 $0x0;
	[smem:$0x7FF] =	sst s3;
	s7 =	sshrl.u32 s4, $0x1  }
0x7: {  	s11 =	sadd.s32 $0x400, s5;
	s31 =	ssub.s32 s4, s7;
	s8 =	sshrl.u32 s6, $0x3  }
0x8: {  	_ =	strace $0x80000047;
	s5 =	smax.u32 s31, $0x1;
	s13 =	sadd.s32 $0x2580, s8  }
0x9: {  	s6 =	sadd.s32 s12, s8;
	s7 =	sadd.s32 s11, s8;
	s9 =	sadd.s32 $0xC80, s8  }
0xa: {  	s14 =	sadd.s32 $0x1900, s8;
	s4 =	sadd.s32 s11, s13;
	s8 =	sadd.s32 s12, s9  }
0xb: {  	s9 =	sadd.s32 s11, s9;
	s10 =	sadd.s32 s12, s14;
	s11 =	sadd.s32 s11, s14  }
0xc: {  	s12 =	sadd.s32 s12, s13;
	s13 =	simm.s32 $0x1;
	s14 =	simm.s32 $0x80  }
.LBB2_1:
0xd: {  	[tilespmem:s3], [sflag:$0x1] =	stream.linear.gather [hbm4b:s2+s3], $0x80, $0x38;
	[tilespmem:$0xC880] =	vst v63  }
0xe: {  	_ =	swait.ge [sflag:s13], $0x80  }
0xf: {  	[sflag:s13] =	ssyncset.done $0x0  }
0x10: {  	[sflag:s13] =	ssyncadd.s32 $0xFFFFFF80  }
0x11: {  	v0 =	vld [tilespmem:$0x0];
	[tilespmem:s14], [sflag:$0x1] =	stream.linear.gather [hbm4b:s6+s3], $0x6400, $0x38  }
0x12: {  	_ =	swait.ge [sflag:s13], $0x6400  }
0x13: {  	[sflag:s13] =	ssyncset.done $0x0  }
0x14: {  	s17 =	simm.s32 $0x0;
	[sflag:s13] =	ssyncadd.s32 $0xFFFF9C00  }
0x15: {  	v1 =	vld [tilespmem:s17+$0x80]  }
0x16: {  	s18 =	simm.s32 $0x40  }
.LBB2_2:
0x17: {  	p0 =	sne.s32 s18, $0x18FC0  }
.Ltmp0:
0x18: {  	_ = 	snop;
	(pc) =	sbr.rel @p0 .LBB2_2-.Ltmp0, $4  }
0x19: {  	_ = 	snop  }
0x1a: {  	s19 =	sshra.s32 s18, $0x2;
	s18 =	sadd.s32 $0x40, s18;
	v2 =	vperm.xlane v0, v1  }
0x1b: {  	v1 =	vld [tilespmem:s19+$0x80]  }
0x1c: {  	[tilespmem:s17+$0x6480] =	vst v2;
	s17 =	smov.u32 s19  }
0x1d: {  	_ =	sdelay $0x2  }
0x1e: {  	v1 =	vperm.xlane v0, v1;
	_ =	sdelay $0x1  }
0x1f: {  	s31 =	simm.s32 $0x0;
	[tilespmem:s17+$0x6480] =	vst v1  }
0x20: {  	[hbm4b:s7+s31] =	stream.linear.scatter [tilespmem:s15], [sflag:$0x1], $0x6400, $0x38;
	[tilespmem:$0xC880] =	vst v63  }
0x21: {  	_ =	swait.ge [sflag:s13], $0x6400  }
0x22: {  	[sflag:s13] =	ssyncset.done $0x0  }
0x23: {  	[sflag:s13] =	ssyncadd.s32 $0xFFFF9C00  }
0x24: {  	[tilespmem:s14], [sflag:$0x1] =	stream.linear.gather [hbm4b:s8+s31], $0x6400, $0x38;
	[tilespmem:$0xC880] =	vst v63  }
0x25: {  	_ =	swait.ge [sflag:s13], $0x6400  }
0x26: {  	[sflag:s13] =	ssyncset.done $0x0  }
0x27: {  	s17 =	simm.s32 $0x0;
	[sflag:s13] =	ssyncadd.s32 $0xFFFF9C00  }
0x28: {  	v1 =	vld [tilespmem:s17+$0x80]  }
0x29: {  	s18 =	simm.s32 $0x40  }
.LBB2_4:
0x2a: {  	p0 =	sne.s32 s18, $0x18FC0  }
.Ltmp1:
0x2b: {  	_ = 	snop;
	(pc) =	sbr.rel @p0 .LBB2_4-.Ltmp1, $4  }
0x2c: {  	_ = 	snop  }
0x2d: {  	s19 =	sshra.s32 s18, $0x2;
	s18 =	sadd.s32 $0x40, s18;
	v2 =	vperm.xlane v0, v1  }
0x2e: {  	v1 =	vld [tilespmem:s19+$0x80]  }
0x2f: {  	[tilespmem:s17+$0x6480] =	vst v2;
	s17 =	smov.u32 s19  }
0x30: {  	_ =	sdelay $0x2  }
0x31: {  	v1 =	vperm.xlane v0, v1;
	_ =	sdelay $0x1  }
0x32: {  	s31 =	simm.s32 $0x0;
	[tilespmem:s17+$0x6480] =	vst v1  }
0x33: {  	[hbm4b:s9+s31] =	stream.linear.scatter [tilespmem:s15], [sflag:$0x1], $0x6400, $0x38;
	[tilespmem:$0xC880] =	vst v63  }
0x34: {  	_ =	swait.ge [sflag:s13], $0x6400  }
0x35: {  	[sflag:s13] =	ssyncset.done $0x0  }
0x36: {  	[sflag:s13] =	ssyncadd.s32 $0xFFFF9C00  }
0x37: {  	[tilespmem:s14], [sflag:$0x1] =	stream.linear.gather [hbm4b:s10+s31], $0x6400, $0x38;
	[tilespmem:$0xC880] =	vst v63  }
0x38: {  	_ =	swait.ge [sflag:s13], $0x6400  }
0x39: {  	[sflag:s13] =	ssyncset.done $0x0  }
0x3a: {  	s17 =	simm.s32 $0x0;
	[sflag:s13] =	ssyncadd.s32 $0xFFFF9C00  }
0x3b: {  	v1 =	vld [tilespmem:s17+$0x80]  }
0x3c: {  	s18 =	simm.s32 $0x40  }
.LBB2_6:
0x3d: {  	p0 =	sne.s32 s18, $0x18FC0  }
.Ltmp2:
0x3e: {  	_ = 	snop;
	(pc) =	sbr.rel @p0 .LBB2_6-.Ltmp2, $4  }
0x3f: {  	_ = 	snop  }
0x40: {  	s19 =	sshra.s32 s18, $0x2;
	s18 =	sadd.s32 $0x40, s18;
	v2 =	vperm.xlane v0, v1  }
0x41: {  	v1 =	vld [tilespmem:s19+$0x80]  }
0x42: {  	[tilespmem:s17+$0x6480] =	vst v2;
	s17 =	smov.u32 s19  }
0x43: {  	_ =	sdelay $0x2  }
0x44: {  	v1 =	vperm.xlane v0, v1;
	_ =	sdelay $0x1  }
0x45: {  	s31 =	simm.s32 $0x0;
	[tilespmem:s17+$0x6480] =	vst v1  }
0x46: {  	[hbm4b:s11+s31] =	stream.linear.scatter [tilespmem:s15], [sflag:$0x1], $0x6400, $0x38;
	[tilespmem:$0xC880] =	vst v63  }
0x47: {  	_ =	swait.ge [sflag:s13], $0x6400  }
0x48: {  	[sflag:s13] =	ssyncset.done $0x0  }
0x49: {  	[sflag:s13] =	ssyncadd.s32 $0xFFFF9C00  }
0x4a: {  	[tilespmem:s14], [sflag:$0x1] =	stream.linear.gather [hbm4b:s12+s31], $0x6400, $0x38;
	[tilespmem:$0xC880] =	vst v63  }
0x4b: {  	_ =	swait.ge [sflag:s13], $0x6400  }
0x4c: {  	[sflag:s13] =	ssyncset.done $0x0  }
0x4d: {  	s17 =	simm.s32 $0x0;
	[sflag:s13] =	ssyncadd.s32 $0xFFFF9C00  }
0x4e: {  	v1 =	vld [tilespmem:s17+$0x80]  }
0x4f: {  	s18 =	simm.s32 $0x40  }
.LBB2_8:
0x50: {  	p0 =	sne.s32 s18, $0x18FC0  }
.Ltmp3:
0x51: {  	_ = 	snop;
	(pc) =	sbr.rel @p0 .LBB2_8-.Ltmp3, $4  }
0x52: {  	_ = 	snop  }
0x53: {  	s19 =	sshra.s32 s18, $0x2;
	s18 =	sadd.s32 $0x40, s18;
	v2 =	vperm.xlane v0, v1  }
0x54: {  	v1 =	vld [tilespmem:s19+$0x80]  }
0x55: {  	[tilespmem:s17+$0x6480] =	vst v2;
	s17 =	smov.u32 s19  }
0x56: {  	_ =	sdelay $0x2  }
0x57: {  	s16 =	sadd.s32 $0x1, s16;
	v0 =	vperm.xlane v0, v1  }
0x58: {  	p0 =	sne.s32 s16, s5  }
.Ltmp4:
0x59: {  	[tilespmem:s17+$0x6480] =	vst v0;
	(pc) =	sbr.rel @p0 .LBB2_1-.Ltmp4, $4  }
0x5a: {  	[hbm4b:s4+s3] =	stream.linear.scatter [tilespmem:s15], [sflag:$0x1], $0x6400, $0x38;
	[tilespmem:$0xC880] =	vst v63  }
0x5b: {  	_ =	swait.ge [sflag:s13], $0x6400  }
0x5c: {  	[sflag:s13] =	ssyncset.done $0x0  }
0x5d: {  	[sflag:s13] =	ssyncadd.s32 $0xFFFF9C00  }
0x5e: {  	_ =	sfence.sel $0x180000  }
0x5f: {  	[bflag:$0x0] =	sbarrier.arrive $0xFFFF  }
0x60: {  	p0 =	sne.s32 s0, $0x0;
	_ =	strace $0x90000047  }
0x61: {  	s0 =	sadd.s32 @!p0 $0x100000, s1;
	[bflag:$0x2] =	sbarrier.arrive $0xFFFF  }
0x62: {  	[sflag:s0] =	ssyncadd.tile.s32 @!p0 $0x1;
	_ =	shalt  }
.Lfunc_end2:
_tile_overlayer_lowered:
.L_overlay_start_2:
0x63: {  	(tag) =	ssettag $0x2  }
0x64: {  	s0 =	rddreg [dreg:$0x0];
	s2 =	stileid.u32  }
0x65: {  	s1 =	rddreg [dreg:$0x1];
	p0 =	sne.s32 s2, $0x0  }
0x66: {  	s3 =	rddreg [dreg:$0x2];
	[bflag:$0x3] =	sbarrier.arrive $0xFFFF;
	s2 =	simm.s32 @!p0 $0x1C01  }
0x67: {  	[timem:s3], [sflag:s2] =	dma.local @!p0 [hbm:s0], s1  }
0x68: {  	s0 =	simm.s32 @!p0 $0x1  }
0x69: {  	_ =	swait.ge @!p0 [sflag:s0], s1  }
0x6a: {  	s1 =	ssub.s32 @!p0 $0x0, s1;
	[sflag:s0] =	ssyncset.done @!p0 $0x0  }
0x6b: {  	[sflag:s0] =	ssyncadd.s32 @!p0 s1  }
0x6c: {  	[bflag:$0x3] =	sbarrier.arrive $0xFFFF  }
0x6d: {  	_ =	shalt  }

</sc_bundles>
